<compile_context>
chip_gen: v7x
topology: tpu7x:2x2x1
jax: 0.10.2.dev20260603
libtpu: 0.0.44.dev20260713+nightly
codegen_flags: <defaults>
</compile_context>

<pallas_src>
import functools

import jax
import jax.numpy as jnp
from jax import lax
from jax.experimental import pallas as pl
from jax.experimental.pallas import tpu as pltpu
from jax.experimental.pallas import tpu_sc as plsc

_DIM = 256
_NE = 8192
_K = 4
_R = 256
_C = 1024
_NEG = -3.0e38


def _topk_body(x_ref, e_ref, idx_ref, diff_ref, rv_ref, ri_ref, acc_ref):
  i = pl.program_id(0)
  j = pl.program_id(1)
  ni = pl.num_programs(0)
  nj = pl.num_programs(1)

  x = x_ref[...]
  e = e_ref[...]
  esq = jnp.sum(e * e, axis=0, keepdims=True)
  s = 2.0 * jnp.dot(x, e, preferred_element_type=jnp.float32) - esq

  col0 = (j * _C).astype(jnp.int32)
  colid = lax.broadcasted_iota(jnp.int32, (_R, _C), 1)

  tvals, tidx = [], []
  for _ in range(_K):
    m = jnp.max(s, axis=1, keepdims=True)
    a = jnp.argmax(s, axis=1).astype(jnp.int32)[:, None]
    tvals.append(m)
    tidx.append(a + col0)
    s = jnp.where(colid == a, _NEG, s)
  tv = jnp.concatenate(tvals, axis=1)
  ti = jnp.concatenate(tidx, axis=1)

  @pl.when(j == 0)
  def _():
    rv_ref[...] = tv
    ri_ref[...] = ti

  @pl.when(j > 0)
  def _():
    pool_v = jnp.concatenate([rv_ref[...], tv], axis=1)
    pool_i = jnp.concatenate([ri_ref[...], ti], axis=1)
    pid = lax.broadcasted_iota(jnp.int32, (_R, 2 * _K), 1)
    nv, nidx = [], []
    for _ in range(_K):
      m = jnp.max(pool_v, axis=1, keepdims=True)
      a = jnp.argmax(pool_v, axis=1).astype(jnp.int32)[:, None]
      sel = pid == a
      nv.append(m)
      nidx.append(jnp.sum(jnp.where(sel, pool_i, 0), axis=1, keepdims=True))
      pool_v = jnp.where(sel, _NEG, pool_v)
    rv_ref[...] = jnp.concatenate(nv, axis=1)
    ri_ref[...] = jnp.concatenate(nidx, axis=1)

  @pl.when(j == nj - 1)
  def _():
    idx_ref[...] = ri_ref[...]
    contrib = _K * jnp.sum(x * x) - jnp.sum(rv_ref[...])

    @pl.when(i == 0)
    def _():
      acc_ref[0] = 0.0

    acc_ref[0] += contrib

    @pl.when(i == ni - 1)
    def _():
      diff_ref[0, 0] = acc_ref[0] / jnp.float32(ni * _R * _K * _DIM)


def _topk_call(x, embed):
  n = x.shape[0]
  grid = (n // _R, _NE // _C)
  return pl.pallas_call(
      _topk_body,
      grid=grid,
      in_specs=[
          pl.BlockSpec((_R, _DIM), lambda i, j: (i, 0)),
          pl.BlockSpec((_DIM, _C), lambda i, j: (0, j)),
      ],
      out_specs=[
          pl.BlockSpec((_R, _K), lambda i, j: (i, 0)),
          pl.BlockSpec(memory_space=pltpu.SMEM),
      ],
      out_shape=[
          jax.ShapeDtypeStruct((n, _K), jnp.int32),
          jax.ShapeDtypeStruct((1, 1), jnp.float32),
      ],
      scratch_shapes=[
          pltpu.VMEM((_R, _K), jnp.float32),
          pltpu.VMEM((_R, _K), jnp.int32),
          pltpu.SMEM((1,), jnp.float32),
      ],
  )(x, embed)


_CHUNK = 128


def _make_gather(n_idx):
  info = plsc.get_sparse_core_info()
  nw = info.num_cores * info.num_subcores
  per_w = n_idx // nw
  n_chunks = per_w // _CHUNK
  mesh = plsc.VectorSubcoreMesh(core_axis_name="c", subcore_axis_name="s")

  @functools.partial(
      pl.kernel,
      mesh=mesh,
      out_type=jax.ShapeDtypeStruct((n_idx, _DIM), jnp.float32),
      scratch_types=[
          pltpu.VMEM((_CHUNK,), jnp.int32),
          pltpu.VMEM((_CHUNK, _DIM), jnp.float32),
          pltpu.SemaphoreType.DMA,
      ],
  )
  def gather(table_hbm, idx_hbm, out_hbm, idx_v, rows_v, sem):
    wid = lax.axis_index("s") * info.num_cores + lax.axis_index("c")
    base = wid * per_w

    def body(c, carry):
      off = base + c * _CHUNK
      pltpu.sync_copy(idx_hbm.at[pl.ds(off, _CHUNK)], idx_v)
      pltpu.async_copy(table_hbm.at[idx_v], rows_v, sem).wait()
      pltpu.sync_copy(rows_v, out_hbm.at[pl.ds(off, _CHUNK)])
      return carry

    lax.fori_loop(0, n_chunks, body, 0, unroll=False)

  return gather


def kernel(input, embed):
  b, h, w, dim = input.shape
  x = input.reshape(-1, dim)
  top_idx, diff = _topk_call(x, embed)
  table = embed.T
  flat_idx = top_idx.reshape(-1)
  q = _make_gather(flat_idx.shape[0])(table, flat_idx)
  quantize_topk = q.reshape(b, h, w, _K * dim)
  embed_ind = top_idx[:, 0]
  return quantize_topk, diff[0, 0], embed_ind

# --- scband reference (transcript-rebuilt; emitter-appended) ---
"""Pipeline reference for scband-quantize-topk-38362647888335 (READ-ONLY COPY).

The authoritative reference and input builder live on the scoring server;
editing this copy changes nothing except your own understanding.
"""

import jax, jax.numpy as jnp
import numpy as np

DIM = 256
N_EMBED = 8192
K = 4

def setup_inputs(seed: int = 0) -> dict:
    key = jax.random.key(seed)
    k1, k2 = jax.random.split(key)
    inp = jax.random.normal(k1, (16, 32, 32, DIM), dtype=jnp.float32)
    embed = jax.random.normal(k2, (DIM, N_EMBED), dtype=jnp.float32)
    return {"input": inp, "embed": embed}

def reference(input, embed):
    B, H, W, dim = input.shape
    k = K
    flatten = input.reshape(-1, dim)
    dist = (jnp.sum(flatten ** 2, axis=1, keepdims=True)
            - 2.0 * (flatten @ embed)
            + jnp.sum(embed ** 2, axis=0, keepdims=True))
    embed_ind = jnp.argmax(-dist, axis=1)
    _, topk_idx = jax.lax.top_k(-dist, k)
    embed_ind_topk = topk_idx.reshape(B, H, W, k)
    # embedding lookup: rows of embed.T (codebook is [dim, n_embed])
    quantize_topk = jnp.take(embed.T, embed_ind_topk, axis=0)
    quantize_topk = quantize_topk.reshape(B, H, W, k * dim)
    input_topk = jnp.tile(input, (1, 1, 1, k))
    diff = jnp.mean((jax.lax.stop_gradient(quantize_topk) - input_topk) ** 2)
    quantize_topk = input_topk + jax.lax.stop_gradient(quantize_topk - input_topk)
    return quantize_topk, diff, embed_ind

if __name__ == "__main__":
    import jax
    _d = setup_inputs()
    print(jax.jit(kernel)(*tuple(_d.values())))

</pallas_src>

<mosaic_0001>
#map = affine_map<(d0, d1) -> (0, 0)>
#map1 = affine_map<(d0, d1) -> (0)>
module attributes {stable_mosaic.version = 14 : i64} {
  func.func @gather(%arg0: i32, %arg1: i32, %arg2: memref<8192x256xf32, #tpu.memory_space<hbm>>, %arg3: memref<65536xi32, #tpu.memory_space<hbm>>, %arg4: memref<65536x256xf32, #tpu.memory_space<hbm>>, %arg5: memref<128xi32, #tpu.memory_space<vmem>>, %arg6: memref<128x256xf32, #tpu.memory_space<vmem>>, %arg7: memref<!tpu.dma_semaphore, #tpu.memory_space<semaphore_mem>>) attributes {dimension_semantics = [#tpu.dimension_semantics<core_parallel>, #tpu.dimension_semantics<subcore_parallel>], iteration_bounds = array<i64: 2, 16>, scalar_prefetch = 0 : i64, scratch_operands = 3 : i64, tpu.core_type = #tpu.core_type<sc_vector_subcore>, window_params = [{transform_indices = #map}, {transform_indices = #map1}, {transform_indices = #map}]} {
    %mul3A = arith.constant 2 : i32
    %mul3A_0 = arith.muli %arg1, %mul3A : i32
    %add3A = arith.addi %mul3A_0, %arg0 : i32
    %mul3A_1 = arith.constant 2048 : i32
    %mul3A_2 = arith.muli %add3A, %mul3A_1 : i32
    %scan3A = arith.constant 0 : i32
    %scan3A_3 = arith.constant 0 : i32
    %scan3A_4 = arith.constant 16 : i32
    %scan3A_5 = arith.addi %scan3A_3, %scan3A_4 : i32
    %scan3A_6 = arith.constant 1 : i32
    scf.for %scan3A_8 = %scan3A_3 to %scan3A_5 step %scan3A_6  : i32 {
      %mul3A_9 = arith.constant 128 : i32
      %mul3A_10 = arith.muli %scan3A_8, %mul3A_9 : i32
      %add3A_11 = arith.addi %mul3A_2, %mul3A_10 : i32
      "tpu.region"() ({
        %run_scoped3A = tpu.sem_alloc : memref<!tpu.dma_semaphore, #tpu.memory_space<semaphore_mem>>
        %dma_start3A_16 = tpu.memref_slice %arg3[%add3A_11] : memref<65536xi32, #tpu.memory_space<hbm>> -> memref<128xi32, #tpu.memory_space<hbm>>
        %dma_start3A_17 = tpu.memref_slice %arg3[%add3A_11] : memref<65536xi32, #tpu.memory_space<hbm>> -> memref<128xi32, #tpu.memory_space<hbm>>
        tpu.enqueue_dma source(%dma_start3A_17 : memref<128xi32, #tpu.memory_space<hbm>>) target(%arg5 : memref<128xi32, #tpu.memory_space<vmem>>) target_semaphore(%run_scoped3A : memref<!tpu.dma_semaphore, #tpu.memory_space<semaphore_mem>>)
        %dma_wait3A_18 = tpu.memref_slice %arg3[%add3A_11] : memref<65536xi32, #tpu.memory_space<hbm>> -> memref<128xi32, #tpu.memory_space<hbm>>
        %dma_wait3A_19 = tpu.memref_slice %arg3[%add3A_11] : memref<65536xi32, #tpu.memory_space<hbm>> -> memref<128xi32, #tpu.memory_space<hbm>>
        tpu.wait_dma2 semaphore(%run_scoped3A : memref<!tpu.dma_semaphore, #tpu.memory_space<semaphore_mem>>) src(%dma_wait3A_19 : memref<128xi32, #tpu.memory_space<hbm>>) dst(%arg5 : memref<128xi32, #tpu.memory_space<vmem>>)
        tpu.yield
      }) : () -> ()
      %dma_start3A = arith.constant 0 : i32
      %dma_start3A_12 = arith.constant 0 : i32
      %dma_start3A_13 = tpu.memref_slice %arg2[%dma_start3A, %dma_start3A_12] : memref<8192x256xf32, #tpu.memory_space<hbm>> -> memref<8192x256xf32, #tpu.memory_space<hbm>>
      tpu.enqueue_indirect_dma source(%dma_start3A_13 : memref<8192x256xf32, #tpu.memory_space<hbm>>) target(%arg6 : memref<128x256xf32, #tpu.memory_space<vmem>>) offsets(%arg5 : memref<128xi32, #tpu.memory_space<vmem>>) semaphore(%arg7 : memref<!tpu.dma_semaphore, #tpu.memory_space<semaphore_mem>>)
      %dma_wait3A = arith.constant 0 : i32
      %dma_wait3A_14 = arith.constant 0 : i32
      %dma_wait3A_15 = tpu.memref_slice %arg2[%dma_wait3A, %dma_wait3A_14] : memref<8192x256xf32, #tpu.memory_space<hbm>> -> memref<8192x256xf32, #tpu.memory_space<hbm>>
      tpu.wait_indirect_dma semaphore(%arg7 : memref<!tpu.dma_semaphore, #tpu.memory_space<semaphore_mem>>) src(%dma_wait3A_15 : memref<8192x256xf32, #tpu.memory_space<hbm>>) dst(%arg6 : memref<128x256xf32, #tpu.memory_space<vmem>>)
      "tpu.region"() ({
        %run_scoped3A = tpu.sem_alloc : memref<!tpu.dma_semaphore, #tpu.memory_space<semaphore_mem>>
        %dma_start3A_16 = arith.constant 0 : i32
        %dma_start3A_17 = tpu.memref_slice %arg4[%add3A_11, %dma_start3A_16] : memref<65536x256xf32, #tpu.memory_space<hbm>> -> memref<128x256xf32, #tpu.memory_space<hbm>>
        %dma_start3A_18 = arith.constant 0 : i32
        %dma_start3A_19 = tpu.memref_slice %arg4[%add3A_11, %dma_start3A_18] : memref<65536x256xf32, #tpu.memory_space<hbm>> -> memref<128x256xf32, #tpu.memory_space<hbm>>
        tpu.enqueue_dma source(%arg6 : memref<128x256xf32, #tpu.memory_space<vmem>>) target(%dma_start3A_19 : memref<128x256xf32, #tpu.memory_space<hbm>>) target_semaphore(%run_scoped3A : memref<!tpu.dma_semaphore, #tpu.memory_space<semaphore_mem>>)
        %dma_wait3A_20 = arith.constant 0 : i32
        %dma_wait3A_21 = tpu.memref_slice %arg4[%add3A_11, %dma_wait3A_20] : memref<65536x256xf32, #tpu.memory_space<hbm>> -> memref<128x256xf32, #tpu.memory_space<hbm>>
        %dma_wait3A_22 = arith.constant 0 : i32
        %dma_wait3A_23 = tpu.memref_slice %arg4[%add3A_11, %dma_wait3A_22] : memref<65536x256xf32, #tpu.memory_space<hbm>> -> memref<128x256xf32, #tpu.memory_space<hbm>>
        tpu.wait_dma2 semaphore(%run_scoped3A : memref<!tpu.dma_semaphore, #tpu.memory_space<semaphore_mem>>) src(%arg6 : memref<128x256xf32, #tpu.memory_space<vmem>>) dst(%dma_wait3A_23 : memref<128x256xf32, #tpu.memory_space<hbm>>)
        tpu.yield
      }) : () -> ()
    }
    %scan3A_7 = arith.constant 16 : i32
    return
  }
}

module attributes {stable_mosaic.version = 14 : i64} {
  func.func @_topk_body(%arg0: i32, %arg1: i32, %arg2: memref<256x256xf32, #tpu.memory_space<vmem>>, %arg3: memref<256x1024xf32, #tpu.memory_space<vmem>>, %arg4: memref<256x4xi32, #tpu.memory_space<vmem>>, %arg5: memref<1x1xf32, #tpu.memory_space<smem>>, %arg6: memref<256x4xf32, #tpu.memory_space<vmem>>, %arg7: memref<256x4xi32, #tpu.memory_space<vmem>>, %arg8: memref<1xf32, #tpu.memory_space<smem>>) attributes {dimension_semantics = [#tpu.dimension_semantics<arbitrary>, #tpu.dimension_semantics<arbitrary>], iteration_bounds = array<i64: 64, 8>, scalar_prefetch = 0 : i64, scratch_operands = 3 : i64, tpu.core_type = #tpu.core_type<tc>, window_params = [{transform_indices = @transform_0, window_bounds = array<i64: 256, 256>}, {transform_indices = @transform_1, window_bounds = array<i64: 256, 1024>}, {transform_indices = @transform_2, window_bounds = array<i64: 256, 4>}, {transform_indices = @transform_3, window_bounds = array<i64: 1, 1>}]} {
    %get3A = arith.constant 0 : index
    %get3A_0 = arith.constant 0 : index
    %get3A_1 = vector.load %arg2[%get3A, %get3A_0] : memref<256x256xf32, #tpu.memory_space<vmem>>, vector<256x256xf32>
    %get3A_2 = arith.constant 0 : index
    %get3A_3 = arith.constant 0 : index
    %get3A_4 = vector.load %arg3[%get3A_2, %get3A_3] : memref<256x1024xf32, #tpu.memory_space<vmem>>, vector<256x1024xf32>
    %mul3A = arith.mulf %get3A_4, %get3A_4 : vector<256x1024xf32>
    %reduce_sum3A = arith.constant dense<0.000000e+00> : vector<1024xf32>
    %reduce_sum3A_5 = vector.multi_reduction <add>, %mul3A, %reduce_sum3A [0] : vector<256x1024xf32> to vector<1024xf32>
    %broadcast_in_dim3A = vector.shape_cast %reduce_sum3A_5 : vector<1024xf32> to vector<1x1024xf32>
    %dot_general3A = arith.constant dense<0.000000e+00> : vector<256x1024xf32>
    %dot_general3A_6 = tpu.matmul %get3A_1, %get3A_4, %dot_general3A {dimension_numbers = #tpu.dot_dimension_numbers<[1], [0], [0], [1], [0, 0, 1, 1], [], []>, transpose_lhs_hint = false} : vector<256x256xf32>, vector<256x1024xf32>, vector<256x1024xf32> -> vector<256x1024xf32>
    %mul3A_7 = arith.constant 2.000000e+00 : f32
    %mul3A_8 = vector.broadcast %mul3A_7 : f32 to vector<256x1024xf32>
    %mul3A_9 = arith.mulf %mul3A_8, %dot_general3A_6 : vector<256x1024xf32>
    %sub3A = vector.broadcast %broadcast_in_dim3A : vector<1x1024xf32> to vector<256x1024xf32>
    %sub3A_10 = arith.subf %mul3A_9, %sub3A : vector<256x1024xf32>
    %mul3A_11 = arith.constant 1024 : i32
    %mul3A_12 = arith.muli %arg1, %mul3A_11 : i32
    %iota3A = tpu.iota {dimensions = array<i32: 1>} : vector<256x1024xi32>
    %reduce_max3A = arith.constant dense<0xFF800000> : vector<256xf32>
    %reduce_max3A_13 = vector.multi_reduction <maximumf>, %sub3A_10, %reduce_max3A [1] : vector<256x1024xf32> to vector<256xf32>
    %broadcast_in_dim3A_14 = vector.shape_cast %reduce_max3A_13 : vector<256xf32> to vector<256x1xf32>
    %argmax3A = tpu.reduce_index %sub3A_10 {axis = 1 : i32, kind = #tpu.reduction_kind<arg_max>} : vector<256x1024xf32> -> vector<256xi32>
    %broadcast_in_dim3A_15 = vector.shape_cast %argmax3A : vector<256xi32> to vector<256x1xi32>
    %add3A = vector.broadcast %mul3A_12 : i32 to vector<256x1xi32>
    %add3A_16 = arith.addi %broadcast_in_dim3A_15, %add3A : vector<256x1xi32>
    %eq3A = vector.broadcast %broadcast_in_dim3A_15 : vector<256x1xi32> to vector<256x1024xi32>
    %eq3A_17 = arith.cmpi eq, %iota3A, %eq3A : vector<256x1024xi32>
    %jit3A = arith.constant -3.000000e+38 : f32
    %broadcast_in_dim3A_18 = vector.broadcast %jit3A : f32 to vector<256x1024xf32>
    %select_n3A = arith.select %eq3A_17, %broadcast_in_dim3A_18, %sub3A_10 : vector<256x1024xi1>, vector<256x1024xf32>
    %reduce_max3A_19 = arith.constant dense<0xFF800000> : vector<256xf32>
    %reduce_max3A_20 = vector.multi_reduction <maximumf>, %select_n3A, %reduce_max3A_19 [1] : vector<256x1024xf32> to vector<256xf32>
    %broadcast_in_dim3A_21 = vector.shape_cast %reduce_max3A_20 : vector<256xf32> to vector<256x1xf32>
    %argmax3A_22 = tpu.reduce_index %select_n3A {axis = 1 : i32, kind = #tpu.reduction_kind<arg_max>} : vector<256x1024xf32> -> vector<256xi32>
    %broadcast_in_dim3A_23 = vector.shape_cast %argmax3A_22 : vector<256xi32> to vector<256x1xi32>
    %add3A_24 = vector.broadcast %mul3A_12 : i32 to vector<256x1xi32>
    %add3A_25 = arith.addi %broadcast_in_dim3A_23, %add3A_24 : vector<256x1xi32>
    %eq3A_26 = vector.broadcast %broadcast_in_dim3A_23 : vector<256x1xi32> to vector<256x1024xi32>
    %eq3A_27 = arith.cmpi eq, %iota3A, %eq3A_26 : vector<256x1024xi32>
    %jit3A_28 = arith.constant -3.000000e+38 : f32
    %broadcast_in_dim3A_29 = vector.broadcast %jit3A_28 : f32 to vector<256x1024xf32>
    %select_n3A_30 = arith.select %eq3A_27, %broadcast_in_dim3A_29, %select_n3A : vector<256x1024xi1>, vector<256x1024xf32>
    %reduce_max3A_31 = arith.constant dense<0xFF800000> : vector<256xf32>
    %reduce_max3A_32 = vector.multi_reduction <maximumf>, %select_n3A_30, %reduce_max3A_31 [1] : vector<256x1024xf32> to vector<256xf32>
    %broadcast_in_dim3A_33 = vector.shape_cast %reduce_max3A_32 : vector<256xf32> to vector<256x1xf32>
    %argmax3A_34 = tpu.reduce_index %select_n3A_30 {axis = 1 : i32, kind = #tpu.reduction_kind<arg_max>} : vector<256x1024xf32> -> vector<256xi32>
    %broadcast_in_dim3A_35 = vector.shape_cast %argmax3A_34 : vector<256xi32> to vector<256x1xi32>
    %add3A_36 = vector.broadcast %mul3A_12 : i32 to vector<256x1xi32>
    %add3A_37 = arith.addi %broadcast_in_dim3A_35, %add3A_36 : vector<256x1xi32>
    %eq3A_38 = vector.broadcast %broadcast_in_dim3A_35 : vector<256x1xi32> to vector<256x1024xi32>
    %eq3A_39 = arith.cmpi eq, %iota3A, %eq3A_38 : vector<256x1024xi32>
    %jit3A_40 = arith.constant -3.000000e+38 : f32
    %broadcast_in_dim3A_41 = vector.broadcast %jit3A_40 : f32 to vector<256x1024xf32>
    %select_n3A_42 = arith.select %eq3A_39, %broadcast_in_dim3A_41, %select_n3A_30 : vector<256x1024xi1>, vector<256x1024xf32>
    %reduce_max3A_43 = arith.constant dense<0xFF800000> : vector<256xf32>
    %reduce_max3A_44 = vector.multi_reduction <maximumf>, %select_n3A_42, %reduce_max3A_43 [1] : vector<256x1024xf32> to vector<256xf32>
    %broadcast_in_dim3A_45 = vector.shape_cast %reduce_max3A_44 : vector<256xf32> to vector<256x1xf32>
    %argmax3A_46 = tpu.reduce_index %select_n3A_42 {axis = 1 : i32, kind = #tpu.reduction_kind<arg_max>} : vector<256x1024xf32> -> vector<256xi32>
    %broadcast_in_dim3A_47 = vector.shape_cast %argmax3A_46 : vector<256xi32> to vector<256x1xi32>
    %add3A_48 = vector.broadcast %mul3A_12 : i32 to vector<256x1xi32>
    %add3A_49 = arith.addi %broadcast_in_dim3A_47, %add3A_48 : vector<256x1xi32>
    %concatenate3A = tpu.concatenate %broadcast_in_dim3A_14, %broadcast_in_dim3A_21, %broadcast_in_dim3A_33, %broadcast_in_dim3A_45 in 1 : vector<256x1xf32>, vector<256x1xf32>, vector<256x1xf32>, vector<256x1xf32> -> vector<256x4xf32>
    %concatenate3A_50 = tpu.concatenate %add3A_16, %add3A_25, %add3A_37, %add3A_49 in 1 : vector<256x1xi32>, vector<256x1xi32>, vector<256x1xi32>, vector<256x1xi32> -> vector<256x4xi32>
    %eq3A_51 = arith.constant 0 : i32
    %eq3A_52 = arith.cmpi eq, %arg1, %eq3A_51 : i32
    %convert_element_type3A = arith.extui %eq3A_52 : i1 to i32
    %cond3A = arith.constant 0 : i32
    %cond3A_53 = arith.cmpi ne, %convert_element_type3A, %cond3A : i32
    scf.if %cond3A_53 {
      %swap3A = arith.constant 0 : index
      %swap3A_63 = arith.constant 0 : index
      %swap3A_64 = vector.load %arg6[%swap3A, %swap3A_63] : memref<256x4xf32, #tpu.memory_space<vmem>>, vector<256x4xf32>
      tpu.vector_store %arg6[%swap3A, %swap3A_63], %concatenate3A {strides = array<i32>} : memref<256x4xf32, #tpu.memory_space<vmem>>, vector<256x4xf32>,
      %swap3A_65 = arith.constant 0 : index
      %swap3A_66 = arith.constant 0 : index
      %swap3A_67 = vector.load %arg7[%swap3A_65, %swap3A_66] : memref<256x4xi32, #tpu.memory_space<vmem>>, vector<256x4xi32>
      tpu.vector_store %arg7[%swap3A_65, %swap3A_66], %concatenate3A_50 {strides = array<i32>} : memref<256x4xi32, #tpu.memory_space<vmem>>, vector<256x4xi32>,
    } else {
    }
    %gt3A = arith.constant 0 : i32
    %gt3A_54 = arith.cmpi sgt, %arg1, %gt3A : i32
    %convert_element_type3A_55 = arith.extui %gt3A_54 : i1 to i32
    %cond3A_56 = arith.constant 0 : i32
    %cond3A_57 = arith.cmpi ne, %convert_element_type3A_55, %cond3A_56 : i32
    scf.if %cond3A_57 {
      %get3A_63 = arith.constant 0 : index
      %get3A_64 = arith.constant 0 : index
      %get3A_65 = vector.load %arg6[%get3A_63, %get3A_64] : memref<256x4xf32, #tpu.memory_space<vmem>>, vector<256x4xf32>
      %concatenate3A_66 = tpu.concatenate %get3A_65, %concatenate3A in 1 : vector<256x4xf32>, vector<256x4xf32> -> vector<256x8xf32>
      %get3A_67 = arith.constant 0 : index
      %get3A_68 = arith.constant 0 : index
      %get3A_69 = vector.load %arg7[%get3A_67, %get3A_68] : memref<256x4xi32, #tpu.memory_space<vmem>>, vector<256x4xi32>
      %concatenate3A_70 = tpu.concatenate %get3A_69, %concatenate3A_50 in 1 : vector<256x4xi32>, vector<256x4xi32> -> vector<256x8xi32>
      %iota3A_71 = tpu.iota {dimensions = array<i32: 1>} : vector<256x8xi32>
      %reduce_max3A_72 = arith.constant dense<0xFF800000> : vector<256xf32>
      %reduce_max3A_73 = vector.multi_reduction <maximumf>, %concatenate3A_66, %reduce_max3A_72 [1] : vector<256x8xf32> to vector<256xf32>
      %broadcast_in_dim3A_74 = vector.shape_cast %reduce_max3A_73 : vector<256xf32> to vector<256x1xf32>
      %argmax3A_75 = tpu.reduce_index %concatenate3A_66 {axis = 1 : i32, kind = #tpu.reduction_kind<arg_max>} : vector<256x8xf32> -> vector<256xi32>
      %broadcast_in_dim3A_76 = vector.shape_cast %argmax3A_75 : vector<256xi32> to vector<256x1xi32>
      %eq3A_77 = vector.broadcast %broadcast_in_dim3A_76 : vector<256x1xi32> to vector<256x8xi32>
      %eq3A_78 = arith.cmpi eq, %iota3A_71, %eq3A_77 : vector<256x8xi32>
      %jit3A_79 = arith.constant 0 : i32
      %broadcast_in_dim3A_80 = vector.broadcast %jit3A_79 : i32 to vector<256x8xi32>
      %select_n3A_81 = arith.select %eq3A_78, %concatenate3A_70, %broadcast_in_dim3A_80 : vector<256x8xi1>, vector<256x8xi32>
      %reduce_sum3A_82 = arith.constant dense<0> : vector<256xi32>
      %reduce_sum3A_83 = vector.multi_reduction <add>, %select_n3A_81, %reduce_sum3A_82 [1] : vector<256x8xi32> to vector<256xi32>
      %broadcast_in_dim3A_84 = vector.shape_cast %reduce_sum3A_83 : vector<256xi32> to vector<256x1xi32>
      %jit3A_85 = arith.constant -3.000000e+38 : f32
      %broadcast_in_dim3A_86 = vector.broadcast %jit3A_85 : f32 to vector<256x8xf32>
      %select_n3A_87 = arith.select %eq3A_78, %broadcast_in_dim3A_86, %concatenate3A_66 : vector<256x8xi1>, vector<256x8xf32>
      %reduce_max3A_88 = arith.constant dense<0xFF800000> : vector<256xf32>
      %reduce_max3A_89 = vector.multi_reduction <maximumf>, %select_n3A_87, %reduce_max3A_88 [1] : vector<256x8xf32> to vector<256xf32>
      %broadcast_in_dim3A_90 = vector.shape_cast %reduce_max3A_89 : vector<256xf32> to vector<256x1xf32>
      %argmax3A_91 = tpu.reduce_index %select_n3A_87 {axis = 1 : i32, kind = #tpu.reduction_kind<arg_max>} : vector<256x8xf32> -> vector<256xi32>
      %broadcast_in_dim3A_92 = vector.shape_cast %argmax3A_91 : vector<256xi32> to vector<256x1xi32>
      %eq3A_93 = vector.broadcast %broadcast_in_dim3A_92 : vector<256x1xi32> to vector<256x8xi32>
      %eq3A_94 = arith.cmpi eq, %iota3A_71, %eq3A_93 : vector<256x8xi32>
      %jit3A_95 = arith.constant 0 : i32
      %broadcast_in_dim3A_96 = vector.broadcast %jit3A_95 : i32 to vector<256x8xi32>
      %select_n3A_97 = arith.select %eq3A_94, %concatenate3A_70, %broadcast_in_dim3A_96 : vector<256x8xi1>, vector<256x8xi32>
      %reduce_sum3A_98 = arith.constant dense<0> : vector<256xi32>
      %reduce_sum3A_99 = vector.multi_reduction <add>, %select_n3A_97, %reduce_sum3A_98 [1] : vector<256x8xi32> to vector<256xi32>
      %broadcast_in_dim3A_100 = vector.shape_cast %reduce_sum3A_99 : vector<256xi32> to vector<256x1xi32>
      %jit3A_101 = arith.constant -3.000000e+38 : f32
      %broadcast_in_dim3A_102 = vector.broadcast %jit3A_101 : f32 to vector<256x8xf32>
      %select_n3A_103 = arith.select %eq3A_94, %broadcast_in_dim3A_102, %select_n3A_87 : vector<256x8xi1>, vector<256x8xf32>
      %reduce_max3A_104 = arith.constant dense<0xFF800000> : vector<256xf32>
      %reduce_max3A_105 = vector.multi_reduction <maximumf>, %select_n3A_103, %reduce_max3A_104 [1] : vector<256x8xf32> to vector<256xf32>
      %broadcast_in_dim3A_106 = vector.shape_cast %reduce_max3A_105 : vector<256xf32> to vector<256x1xf32>
      %argmax3A_107 = tpu.reduce_index %select_n3A_103 {axis = 1 : i32, kind = #tpu.reduction_kind<arg_max>} : vector<256x8xf32> -> vector<256xi32>
      %broadcast_in_dim3A_108 = vector.shape_cast %argmax3A_107 : vector<256xi32> to vector<256x1xi32>
      %eq3A_109 = vector.broadcast %broadcast_in_dim3A_108 : vector<256x1xi32> to vector<256x8xi32>
      %eq3A_110 = arith.cmpi eq, %iota3A_71, %eq3A_109 : vector<256x8xi32>
      %jit3A_111 = arith.constant 0 : i32
      %broadcast_in_dim3A_112 = vector.broadcast %jit3A_111 : i32 to vector<256x8xi32>
      %select_n3A_113 = arith.select %eq3A_110, %concatenate3A_70, %broadcast_in_dim3A_112 : vector<256x8xi1>, vector<256x8xi32>
      %reduce_sum3A_114 = arith.constant dense<0> : vector<256xi32>
      %reduce_sum3A_115 = vector.multi_reduction <add>, %select_n3A_113, %reduce_sum3A_114 [1] : vector<256x8xi32> to vector<256xi32>
      %broadcast_in_dim3A_116 = vector.shape_cast %reduce_sum3A_115 : vector<256xi32> to vector<256x1xi32>
      %jit3A_117 = arith.constant -3.000000e+38 : f32
      %broadcast_in_dim3A_118 = vector.broadcast %jit3A_117 : f32 to vector<256x8xf32>
      %select_n3A_119 = arith.select %eq3A_110, %broadcast_in_dim3A_118, %select_n3A_103 : vector<256x8xi1>, vector<256x8xf32>
      %reduce_max3A_120 = arith.constant dense<0xFF800000> : vector<256xf32>
      %reduce_max3A_121 = vector.multi_reduction <maximumf>, %select_n3A_119, %reduce_max3A_120 [1] : vector<256x8xf32> to vector<256xf32>
      %broadcast_in_dim3A_122 = vector.shape_cast %reduce_max3A_121 : vector<256xf32> to vector<256x1xf32>
      %argmax3A_123 = tpu.reduce_index %select_n3A_119 {axis = 1 : i32, kind = #tpu.reduction_kind<arg_max>} : vector<256x8xf32> -> vector<256xi32>
      %broadcast_in_dim3A_124 = vector.shape_cast %argmax3A_123 : vector<256xi32> to vector<256x1xi32>
      %eq3A_125 = vector.broadcast %broadcast_in_dim3A_124 : vector<256x1xi32> to vector<256x8xi32>
      %eq3A_126 = arith.cmpi eq, %iota3A_71, %eq3A_125 : vector<256x8xi32>
      %jit3A_127 = arith.constant 0 : i32
      %broadcast_in_dim3A_128 = vector.broadcast %jit3A_127 : i32 to vector<256x8xi32>
      %select_n3A_129 = arith.select %eq3A_126, %concatenate3A_70, %broadcast_in_dim3A_128 : vector<256x8xi1>, vector<256x8xi32>
      %reduce_sum3A_130 = arith.constant dense<0> : vector<256xi32>
      %reduce_sum3A_131 = vector.multi_reduction <add>, %select_n3A_129, %reduce_sum3A_130 [1] : vector<256x8xi32> to vector<256xi32>
      %broadcast_in_dim3A_132 = vector.shape_cast %reduce_sum3A_131 : vector<256xi32> to vector<256x1xi32>
      %concatenate3A_133 = tpu.concatenate %broadcast_in_dim3A_74, %broadcast_in_dim3A_90, %broadcast_in_dim3A_106, %broadcast_in_dim3A_122 in 1 : vector<256x1xf32>, vector<256x1xf32>, vector<256x1xf32>, vector<256x1xf32> -> vector<256x4xf32>
      %swap3A = arith.constant 0 : index
      %swap3A_134 = arith.constant 0 : index
      %swap3A_135 = vector.load %arg6[%swap3A, %swap3A_134] : memref<256x4xf32, #tpu.memory_space<vmem>>, vector<256x4xf32>
      tpu.vector_store %arg6[%swap3A, %swap3A_134], %concatenate3A_133 {strides = array<i32>} : memref<256x4xf32, #tpu.memory_space<vmem>>, vector<256x4xf32>,
      %concatenate3A_136 = tpu.concatenate %broadcast_in_dim3A_84, %broadcast_in_dim3A_100, %broadcast_in_dim3A_116, %broadcast_in_dim3A_132 in 1 : vector<256x1xi32>, vector<256x1xi32>, vector<256x1xi32>, vector<256x1xi32> -> vector<256x4xi32>
      %swap3A_137 = arith.constant 0 : index
      %swap3A_138 = arith.constant 0 : index
      %swap3A_139 = vector.load %arg7[%swap3A_137, %swap3A_138] : memref<256x4xi32, #tpu.memory_space<vmem>>, vector<256x4xi32>
      tpu.vector_store %arg7[%swap3A_137, %swap3A_138], %concatenate3A_136 {strides = array<i32>} : memref<256x4xi32, #tpu.memory_space<vmem>>, vector<256x4xi32>,
    } else {
    }
    %eq3A_58 = arith.constant 7 : i32
    %eq3A_59 = arith.cmpi eq, %arg1, %eq3A_58 : i32
    %convert_element_type3A_60 = arith.extui %eq3A_59 : i1 to i32
    %cond3A_61 = arith.constant 0 : i32
    %cond3A_62 = arith.cmpi ne, %convert_element_type3A_60, %cond3A_61 : i32
    scf.if %cond3A_62 {
      %get3A_63 = arith.constant 0 : index
      %get3A_64 = arith.constant 0 : index
      %get3A_65 = vector.load %arg7[%get3A_63, %get3A_64] : memref<256x4xi32, #tpu.memory_space<vmem>>, vector<256x4xi32>
      %swap3A = arith.constant 0 : index
      %swap3A_66 = arith.constant 0 : index
      %swap3A_67 = vector.load %arg4[%swap3A, %swap3A_66] : memref<256x4xi32, #tpu.memory_space<vmem>>, vector<256x4xi32>
      tpu.vector_store %arg4[%swap3A, %swap3A_66], %get3A_65 {strides = array<i32>} : memref<256x4xi32, #tpu.memory_space<vmem>>, vector<256x4xi32>,
      %mul3A_68 = arith.mulf %get3A_1, %get3A_1 : vector<256x256xf32>
      %reduce_sum3A_69 = vector.shape_cast %mul3A_68 : vector<256x256xf32> to vector<1x256x256xf32>
      %reduce_sum3A_70 = arith.constant dense<0.000000e+00> : vector<1xf32>
      %reduce_sum3A_71 = vector.multi_reduction <add>, %reduce_sum3A_69, %reduce_sum3A_70 [1, 2] : vector<1x256x256xf32> to vector<1xf32>
      %reduce_sum3A_72 = vector.shape_cast %reduce_sum3A_71 : vector<1xf32> to vector<1x1x1xf32>
      %reduce_sum3A_73 = vector.extract %reduce_sum3A_72[0, 0, 0] : f32 from vector<1x1x1xf32>
      %mul3A_74 = arith.constant 4.000000e+00 : f32
      %mul3A_75 = arith.mulf %mul3A_74, %reduce_sum3A_73 : f32
      %get3A_76 = arith.constant 0 : index
      %get3A_77 = arith.constant 0 : index
      %get3A_78 = vector.load %arg6[%get3A_76, %get3A_77] : memref<256x4xf32, #tpu.memory_space<vmem>>, vector<256x4xf32>
      %reduce_sum3A_79 = vector.shape_cast %get3A_78 : vector<256x4xf32> to vector<1x256x4xf32>
      %reduce_sum3A_80 = arith.constant dense<0.000000e+00> : vector<1xf32>
      %reduce_sum3A_81 = vector.multi_reduction <add>, %reduce_sum3A_79, %reduce_sum3A_80 [1, 2] : vector<1x256x4xf32> to vector<1xf32>
      %reduce_sum3A_82 = vector.shape_cast %reduce_sum3A_81 : vector<1xf32> to vector<1x1x1xf32>
      %reduce_sum3A_83 = vector.extract %reduce_sum3A_82[0, 0, 0] : f32 from vector<1x1x1xf32>
      %sub3A_84 = arith.subf %mul3A_75, %reduce_sum3A_83 : f32
      %eq3A_85 = arith.constant 0 : i32
      %eq3A_86 = arith.cmpi eq, %arg0, %eq3A_85 : i32
      %convert_element_type3A_87 = arith.extui %eq3A_86 : i1 to i32
      %cond3A_88 = arith.constant 0 : i32
      %cond3A_89 = arith.cmpi ne, %convert_element_type3A_87, %cond3A_88 : i32
      scf.if %cond3A_89 {
        %swap3A_100 = arith.constant 0.000000e+00 : f32
        %swap3A_101 = arith.constant 0 : index
        %swap3A_102 = memref.load %arg8[%swap3A_101] : memref<1xf32, #tpu.memory_space<smem>>
        memref.store %swap3A_100, %arg8[%swap3A_101] : memref<1xf32, #tpu.memory_space<smem>>
      } else {
      }
      %get3A_90 = arith.constant 0 : index
      %get3A_91 = memref.load %arg8[%get3A_90] : memref<1xf32, #tpu.memory_space<smem>>
      %add3A_92 = arith.addf %get3A_91, %sub3A_84 : f32
      %swap3A_93 = arith.constant 0 : index
      %swap3A_94 = memref.load %arg8[%swap3A_93] : memref<1xf32, #tpu.memory_space<smem>>
      memref.store %add3A_92, %arg8[%swap3A_93] : memref<1xf32, #tpu.memory_space<smem>>
      %eq3A_95 = arith.constant 63 : i32
      %eq3A_96 = arith.cmpi eq, %arg0, %eq3A_95 : i32
      %convert_element_type3A_97 = arith.extui %eq3A_96 : i1 to i32
      %cond3A_98 = arith.constant 0 : i32
      %cond3A_99 = arith.cmpi ne, %convert_element_type3A_97, %cond3A_98 : i32
      scf.if %cond3A_99 {
        %get3A_100 = arith.constant 0 : index
        %get3A_101 = memref.load %arg8[%get3A_100] : memref<1xf32, #tpu.memory_space<smem>>
        %div3A = arith.constant 0x4B800000 : f32
        %div3A_102 = arith.divf %get3A_101, %div3A : f32
        %swap3A_103 = arith.constant 0 : index
        %swap3A_104 = arith.constant 0 : index
        %swap3A_105 = memref.load %arg5[%swap3A_103, %swap3A_104] : memref<1x1xf32, #tpu.memory_space<smem>>
        memref.store %div3A_102, %arg5[%swap3A_103, %swap3A_104] : memref<1x1xf32, #tpu.memory_space<smem>>
      } else {
      }
    } else {
    }
    return
  }
  func.func @transform_0(%arg0: i32, %arg1: i32) -> (i32, i32) {
    %c0_i32 = arith.constant 0 : i32
    %c0_i32_0 = arith.constant 0 : i32
    return %arg0, %c0_i32 : i32, i32
  }
  func.func @transform_1(%arg0: i32, %arg1: i32) -> (i32, i32) {
    %c0_i32 = arith.constant 0 : i32
    %c0_i32_0 = arith.constant 0 : i32
    return %c0_i32, %arg1 : i32, i32
  }
  func.func @transform_2(%arg0: i32, %arg1: i32) -> (i32, i32) {
    %c0_i32 = arith.constant 0 : i32
    %c0_i32_0 = arith.constant 0 : i32
    return %arg0, %c0_i32 : i32, i32
  }
  func.func @transform_3(%arg0: i32, %arg1: i32) -> (i32, i32) {
    %c0_i32 = arith.constant 0 : i32
    %c0_i32_0 = arith.constant 0 : i32
    %c0_i32_1 = arith.constant 0 : i32
    return %c0_i32, %c0_i32_0 : i32, i32
  }
}

</mosaic_0001>

<sc_bundles>
// kernel: kernel.4.cloned.1.call-start
scs
__scs_entry_jumppad:
0x0: {  	(pc) =	sbr.rel $0x88, $3  }
0x1: {  	(tag) =	ssettag $0x0;
	lr =	simm.s32 $0x1  }
0x2: {  	[smem:$0x3F9F] =	sst lr;
	_ =	strace $0xD0000000  }
0x3: {  	_ = 	snop  }
0x4: {  	_ = 	snop  }
0x5: {  	_ = 	snop  }
0x6: {  	_ = 	snop  }
0x7: {  	_ = 	snop  }
__scs_overlays_trampoline_lowered:
0x8: {  	[smem:$0x3FAE] =	sst s0  }
0x9: {  	[smem:$0x3FAF] =	sst s1  }
0xa: {  	[smem:$0x3FB0] =	sst s2  }
0xb: {  	[smem:$0x3FB1] =	sst s3  }
0xc: {  	[smem:$0x3FB2] =	sst s4  }
0xd: {  	[smem:$0x3FB3] =	sst s5  }
0xe: {  	[smem:$0x3FB4] =	sst s6  }
0xf: {  	[smem:$0x3FB5] =	sst s7  }
0x10: {  	[smem:$0x3FB6] =	sst s8  }
0x11: {  	[smem:$0x3FB7] =	sst s9;
	s0 =	simm.s32 @!p0 $0x0  }
0x12: {  	s1 =	sld [smem:$0x3F9D];
	s0 =	simm.s32 @p0 $0x1  }
0x13: {  	[smem:$0x3FB8] =	sst s0;
	s0 =	simm.s32 @!p1 $0x0  }
0x14: {  	s2 =	sld [smem:$0x3F9C];
	s0 =	simm.s32 @p1 $0x1  }
0x15: {  	[smem:$0x3FB9] =	sst s0;
	s0 =	simm.s32 @!p2 $0x0  }
0x16: {  	s3 =	sld [smem:$0x3FDB];
	s0 =	simm.s32 @p2 $0x1  }
0x17: {  	s4 =	simm.s32 $0x1BF5;
	[smem:$0x3FBB] =	sst s0  }
0x18: {  	s0 =	sld [smem:$0x3F9E];
	_ =	swait.ge [sflag:s4], $0x0  }
0x19: {  	s7 =	sld [smem:$0x3F9F]  }
0x1a: {  	s8 =	sadd.s32 $0xFFFFE003, lr  }
0x1b: {  	s9 =	sadd.s32 $0xFFFFFEF7, lr;
	s5 =	simm.s32 $0xFFFFFFFF;
	p2 =	slt.u32 s8, $0xFFFFF086  }
0x1c: {  	p1 =	slt.u32 s9, $0xF7A;
	s5 =	simm.s32 @!p2 $0x0  }
0x1d: {  	s5 =	simm.s32 @p1 $0x1;
	p0 =	seq.s32 s7, s2  }
0x1e: {  	s7 =	smul.u32 @!p0 $0xF7A, s2;
	p2 =	seq.s32 @!p0 s5, $0x0  }
0x1f: {  	s9 =	smul.u32 $0xF7A, s1;
	s8 =	simm.s32 @!p0 $0x1BF5;
	p2 =	por !p2, p0  }
0x20: {  	[sflag:s8] =	ssyncset.s32 @!p0 $0xFFFFF086;
	s6 =	sadd.s32 @!p0 s3, s7;
	s7 =	simm.s32 @!p0 $0x108  }
0x21: {  	s3 =	sadd.s32 s3, s9;
	s6 =	sadd.s32 @!p0 $0x88, s6;
	s7 =	simm.s32 @p2 $0x1082  }
0x22: {  	[simem:s7], [sflag:s8] =	dma.local @!p0 [hbm:s6], $0xF7A  }
0x23: {  	s9 =	sor.u32 $0xD0000000, s2;
	s6 =	simm.s32 $0x108;
	_ =	swait.ge @!p0 [sflag:s8], $0x0  }
0x24: {  	s3 =	sadd.s32 $0x88, s3;
	s6 =	simm.s32 @!p1 $0x1082;
	[sflag:s4] =	ssyncset.s32 $0xFFFFF086  }
0x25: {  	[simem:s6], [sflag:s4] =	dma.local [hbm:s3], $0xF7A  }
0x26: {  	[smem:$0x3F9F] =	sst s1;
	(tag) =	ssettag s2;
	_ =	strace s9  }
0x27: {  	s1 =	sld [smem:$0x3FAF]  }
0x28: {  	s2 =	sld [smem:$0x3FB0]  }
0x29: {  	s4 =	sld [smem:$0x3FB2]  }
0x2a: {  	p0 =	seq.s32 s5, $0x0;
	s5 =	sld [smem:$0x3FB3]  }
0x2b: {  	s6 =	sld [smem:$0x3FB4]  }
0x2c: {  	s7 =	sld [smem:$0x3FB5]  }
0x2d: {  	s3 =	simm.s32 $0x108;
	s8 =	sld [smem:$0x3FB6]  }
0x2e: {  	s3 =	simm.s32 @!p0 $0x1082;
	s9 =	sld [smem:$0x3FB7]  }
0x2f: {  	lr =	sadd.s32 s0, s3;
	s0 =	sld [smem:$0x3FAE]  }
0x30: {  	s3 =	sld [smem:$0x3FB1]  }
0x31: {  	[smem:$0x3FBA] =	sst s10  }
0x32: {  	s10 =	sld [smem:$0x3FB8];
	_ =	sdelay $0x3  }
0x33: {  	p0 =	seq.s32 s10, $0x1;
	s10 =	sld [smem:$0x3FBA];
	_ =	sdelay $0x3  }
0x34: {  	[smem:$0x3FBA] =	sst s10  }
0x35: {  	s10 =	sld [smem:$0x3FB9];
	_ =	sdelay $0x3  }
0x36: {  	p1 =	seq.s32 s10, $0x1;
	s10 =	sld [smem:$0x3FBA];
	_ =	sdelay $0x3  }
0x37: {  	[smem:$0x3FBA] =	sst s10  }
0x38: {  	s10 =	sld [smem:$0x3FBB]  }
0x39: {  	_ = 	snop;
	(pc) =	sbr.ind lr, $3  }
0x3a: {  	_ = 	snop  }
0x3b: {  	_ = 	snop  }
0x3c: {  	p2 =	seq.s32 s10, $0x1;
	s10 =	sld [smem:$0x3FBA]  }
0x3d: {  	_ =	shalt  }
0x3e: {  	_ =	shalt  }
0x3f: {  	_ =	shalt  }
0x40: {  	_ =	shalt  }
0x41: {  	_ =	shalt  }
0x42: {  	_ =	shalt  }
0x43: {  	_ =	shalt  }
0x44: {  	_ =	shalt  }
0x45: {  	_ =	shalt  }
0x46: {  	_ =	shalt  }
0x47: {  	_ =	shalt  }
0x48: {  	_ =	shalt  }
0x49: {  	_ =	shalt  }
0x4a: {  	_ =	shalt  }
0x4b: {  	_ =	shalt  }
0x4c: {  	_ =	shalt  }
0x4d: {  	_ =	shalt  }
0x4e: {  	_ =	shalt  }
0x4f: {  	_ =	shalt  }
0x50: {  	_ =	shalt  }
0x51: {  	_ =	shalt  }
0x52: {  	_ =	shalt  }
0x53: {  	_ =	shalt  }
0x54: {  	_ =	shalt  }
0x55: {  	_ =	shalt  }
0x56: {  	_ =	shalt  }
0x57: {  	_ =	shalt  }
0x58: {  	_ =	shalt  }
0x59: {  	_ =	shalt  }
0x5a: {  	_ =	shalt  }
0x5b: {  	_ =	shalt  }
0x5c: {  	_ =	shalt  }
0x5d: {  	_ =	shalt  }
0x5e: {  	_ =	shalt  }
0x5f: {  	_ =	shalt  }
0x60: {  	_ =	shalt  }
0x61: {  	_ =	shalt  }
0x62: {  	_ =	shalt  }
0x63: {  	_ =	shalt  }
0x64: {  	_ =	shalt  }
0x65: {  	_ =	shalt  }
0x66: {  	_ =	shalt  }
0x67: {  	_ =	shalt  }
0x68: {  	_ =	shalt  }
0x69: {  	_ =	shalt  }
0x6a: {  	_ =	shalt  }
0x6b: {  	_ =	shalt  }
0x6c: {  	_ =	shalt  }
0x6d: {  	_ =	shalt  }
0x6e: {  	_ =	shalt  }
0x6f: {  	_ =	shalt  }
0x70: {  	_ =	shalt  }
0x71: {  	_ =	shalt  }
0x72: {  	_ =	shalt  }
0x73: {  	_ =	shalt  }
0x74: {  	_ =	shalt  }
0x75: {  	_ =	shalt  }
0x76: {  	_ =	shalt  }
0x77: {  	_ =	shalt  }
0x78: {  	_ =	shalt  }
0x79: {  	_ =	shalt  }
0x7a: {  	_ =	shalt  }
0x7b: {  	_ =	shalt  }
0x7c: {  	_ =	shalt  }
0x7d: {  	_ =	shalt  }
0x7e: {  	_ =	shalt  }
0x7f: {  	_ =	shalt  }
0x80: {  	_ =	shalt  }
0x81: {  	_ =	shalt  }
0x82: {  	_ =	shalt  }
0x83: {  	_ =	shalt  }
0x84: {  	_ =	shalt  }
0x85: {  	_ =	shalt  }
0x86: {  	_ =	shalt  }
0x87: {  	_ =	shalt  }
.Lfunc_end0:
.L_simem_size_0:
called_computation_lowered:
.L_overlay_start_0:
0x88: {  	s2 =	sld [smem:$0x3FD9]  }
0x89: {  	s3 =	sld [smem:$0x3FFE];
	_ =	sdelay $0x1  }
0x8a: {  	s1 =	srdreg.scid  }
0x8b: {  	s0 =	sand.u32 $0x1, s1  }
0x8c: {  	s14 =	sshll.u32 s0, $0xA;
	s2 =	sadd.s32 s3, s2  }
0x8d: {  	s2 =	sadd.s32 s2, s14  }
0x8e: {  	[smem:$0x3FC6] =	sst s2  }
0x8f: {  	_ = 	snop  }
0x90: {  	s2 =	sld [smem:$0x3FD0];
	_ =	sdelay $0x2  }
0x91: {  	s15 =	simm.s32 $0xA;
	s4 =	simm.s32 $0x10  }
0x92: {  	[smem:s4], [sflag:s15] =	dma.local [hbm:s2], $0x1  }
0x93: {  	_ =	swait.eq [sflag:s15], $0x1  }
0x94: {  	[sflag:s15] =	ssyncset.done $0x0  }
0x95: {  	[sflag:s15] =	ssyncadd.s32 $0xFFFFFFFF  }
0x96: {  	s16 =	sld [smem:$0x10];
	(tm) =	ssettm $0x1  }
0x97: {  	s17 =	sld [smem:$0x3FFB];
	_ =	sdelay $0x3  }
0x98: {  	_ =	strace s17  }
0x99: {  	s3 =	sld [smem:$0x3FFC];
	_ =	sdelay $0x3  }
0x9a: {  	_ =	strace s3  }
0x9b: {  	s3 =	sld [smem:$0x3FFD];
	_ =	sdelay $0x3  }
0x9c: {  	_ =	strace s3  }
0x9d: {  	_ =	strace $0x8FFFFFFF  }
0x9e: {  	s18 =	sld [smem:$0x3FDB];
	_ =	sdelay $0x1  }
0x9f: {  	s19 =	simm.s32 $_scs_section_size  }
0xa0: {  	s5 =	simm.s32 $_size__tile_overlayer_lowered;
	s6 =	simm.s32 $_tile_overlayer_lowered  }
0xa1: {  	s22 =	simm.s32 $0x1BFF;
	s21 =	sshll.u32 s6, $0x1;
	s3 =	sadd.s32 s19, s18  }
0xa2: {  	s7 =	simm.s32 $0x0;
	s20 =	sshll.u32 s5, $0x1;
	s5 =	sadd.s32 s21, s3  }
0xa3: {  	[timem:s7], [sflag:s22] =	dma.local [hbm:s5], s20  }
0xa4: {  	_ =	swait.ge [sflag:s22], s20  }
0xa5: {  	s4 =	ssub.s32 $0x0, s20;
	[sflag:s22] =	ssyncset.done $0x0  }
0xa6: {  	[sflag:s22] =	ssyncadd.s32 s4;
	_ =	sdelay $0x1  }
0xa7: {  	s23 =	simm.s32 $0x1B8B  }
0xa8: {  	_ =	swait.ge [sflag:s23], $0x1  }
0xa9: {  	[sflag:s23] =	ssyncset.done $0x0  }
0xaa: {  	s25 =	simm.s32 $0x1B8E;
	s24 =	sld [smem:$0x3FFE];
	[sflag:s23] =	ssyncadd.s32 $0xFFFFFFFF  }
0xab: {  	s26 =	simm.s32 $execute0_lowered;
	[smem:$0x3FD2] =	sst s25  }
0xac: {  	s5 =	sshll.u32 s26, $0x1;
	_ =	strace $0x80000046;
	[dreg:$0x1] =	wrdreg $0xFFFFFFFF  }
0xad: {  	s28 =	simm.s32 $_size_execute0_lowered;
	s3 =	sadd.s32 s3, s5;
	[dreg:$0x0] =	wrdreg $0x0  }
0xae: {  	s5 =	sshll.u32 s28, $0x1;
	[dreg:$0x2] =	wrdreg s3  }
0xaf: {  	[dreg:$0x3] =	wrdreg s5  }
0xb0: {  	[dreg:$0x4] =	wrdreg $0xC0  }
0xb1: {  	_ =	task [dreg:s7], $0x5FFFF  }
0xb2: {  	[dreg:$0x1] =	wrdreg $0xFFFFFFFF  }
0xb3: {  	[dreg:$0x0] =	wrdreg $0x60  }
0xb4: {  	[dreg:$0x2] =	wrdreg s16  }
0xb5: {  	[dreg:$0x3] =	wrdreg s24  }
0xb6: {  	[dreg:$0x4] =	wrdreg $0x9  }
0xb7: {  	_ =	task.clear_ibuf [dreg:s7], $0x5FFFF;
	_ =	strace $0x90000046  }
0xb8: {  	s29 =	simm.s32 $0x9;
	_ =	strace $0x80000048  }
0xb9: {  	_ =	swait.ge [sflag:s29], $0x1  }
0xba: {  	[sflag:s29] =	ssyncadd.s32 $0xFFFFFFFF  }
0xbb: {  	_ =	strace $0x90000048  }
0xbc: {  	_ =	sfence  }
0xbd: {  	s30 =	sld [smem:$0x0];
	_ =	sdelay $0x2  }
0xbe: {  	s31 =	sshll.u32 s1, $0xD;
	s1 =	sshrl.u32 s1, $0x2  }
0xbf: {  	s3 =	sand.u32 $0x4000, s31;
	s1 =	sadd.s32 s1, s30  }
0xc0: {  	s0 =	sor.u32 s3, s0;
	s1 =	sshll.u32 s1, $0x11  }
0xc1: {  	s0 =	sor.u32 s1, s0  }
0xc2: {  	s0 =	sadd.s32 $0x8F2B, s0  }
0xc3: {  	[sflag:s0] =	ssyncadd.remote.s32 $0x1  }
0xc4: {  	_ =	sfence.sel $0xFFFF  }
0xc5: {  	[dreg:$0x0] =	wrdreg $0xFFFFFFFF;
	(pc) =	sbr.abs _section_cstart, $3  }
0xc6: {  	[dreg:$0x1] =	wrdreg $0xFFFFFFFF  }
0xc7: {  	_ =	task.clear_ibuf [dreg:s7], $0x2FFFF;
	_ =	strace $0x9FFFFFFF  }
0xc8: {  	(tm) =	ssettm $0x7FFFFFFF  }
0xc9: {  	_ =	shalt  }
tec
execute0_lowered:
.L_overlay_start_1:
0x0: {  	(tag) =	ssettag $0x1  }
0x1: {  	s1 =	rddreg [dreg:$0x0]  }
0x2: {  	s4 =	rddreg [dreg:$0x1]  }
0x3: {  	s0 =	rddreg [dreg:$0x2];
	s5 =	srdreg.scid  }
0x4: {  	s3 =	simm.s32 $0x0;
	s2 =	stileid.u32;
	s10 =	simm.s32 $0x1080  }
0x5: {  	s11 =	simm.s32 $0x1880;
	s12 =	simm.s32 $0x2080;
	s13 =	simm.s32 $0x2880  }
0x6: {  	s14 =	simm.s32 $0x3080;
	s15 =	simm.s32 $0x3880;
	s16 =	simm.s32 $0x4080  }
0x7: {  	s17 =	simm.s32 $0x4880;
	s18 =	simm.s32 $0x5080;
	s19 =	simm.s32 $0x5880  }
0x8: {  	s20 =	simm.s32 $0x6080;
	s21 =	simm.s32 $0x6880;
	s22 =	simm.s32 $0x7080  }
0x9: {  	s23 =	simm.s32 $0x7880;
	s24 =	simm.s32 $0x1;
	s25 =	simm.s32 $0x0  }
0xa: {  	s5 =	sand.u32 $0x1, s5;
	[smem:$0x7FF] =	sst s3;
	s6 =	sshll.u32 s2, $0xC  }
0xb: {  	s8 =	sshll.u32 s2, $0x11;
	s7 =	sshll.u32 s5, $0xB;
	_ =	strace $0x80000047  }
0xc: {  	s31 =	ssub.s32 $0x2, s5;
	s8 =	sadd.s32 s8, s4;
	s5 =	sshll.u32 s5, $0x10  }
0xd: {  	s6 =	sor.u32 s7, s6;
	s9 =	sshrl.u32 s31, $0x1;
	s5 =	sadd.s32 s5, s8  }
0xe: {  	v2 =	vlaneseq.u32;
	s8 =	simm.s32 $0x80;
	s6 =	sshrl.u32 s6, $0x3;
	s7 =	ssub.s32 s31, s9  }
0xf: {  	vm0 =	vmmov $0xffff;
	v1 =	vshrl.u32 v2, $0x3;
	s5 =	sadd.s32 $0x2400, s5;
	s9 =	simm.s32 $0x880;
	s6 =	sadd.s32 s6, s4  }
0x10: {  	v0 =	vand.u32 $0x7, v2;
	v2 =	vor.u32 $0x8, v2;
	v1 =	vmul.u32 $0x8, v1;
	s4 =	smax.u32 s7, $0x1;
	s7 =	simm.s32 $0x2;
	s6 =	sadd.s32 $0x400, s6  }
.LBB2_1:
0x11: {  	s26 =	smov.u32 s5;
	s28 =	simm.s32 $0x0  }
.LBB2_2:
0x12: {  	s29 =	sadd.s32 s28, s6  }
0x13: {  	[tilespmem:s3], [sflag:$0x2] =	stream.linear.gather [hbm4b:s29+s3], $0x80, $0x38;
	[tilespmem:$0x8080] =	vst v63  }
0x14: {  	_ =	swait.ge [sflag:s7], $0x80  }
0x15: {  	[sflag:s7] =	ssyncset.done $0x0  }
0x16: {  	[sflag:s7] =	ssyncadd.s32 $0xFFFFFF80  }
0x17: {  	v3 =	vld [tilespmem:$0x0];
	_ =	sdelay $0x4  }
0x18: {  	v4 =	vshll.u32 v3, $0x1  }
0x19: {  	v3 =	vand.u32 $0x7, v3;
	v4 =	vand.u32 $0xFFFFFFF0, v4  }
0x1a: {  	v3 =	vor.u32 v3, v4  }
0x1b: {  	v4 =	vperm.xlane v3, v0;
	_ =	sdelay $0x1  }
0x1c: {  	v3 =	vperm.xlane v3, v2;
	v4 =	vadd.s32 v1, v4;
	_ =	sdelay $0x1  }
0x1d: {  	v3 =	vadd.s32 v1, v3;
	_ =	sdelay $0x2  }
0x1e: {  	[tilespmem:s8], [sflag:$0x1] =	stream.indirect_vreg.gather [hbm4b:s1+s3], $0x80, v4, vm0, $0xb8;
	[tilespmem:$0x8080] =	vst v63  }
0x1f: {  	_ = 	snop  }
0x20: {  	[tilespmem:s9], [sflag:$0x1] =	stream.indirect_vreg.gather [hbm4b:s1+s3], $0x80, v3, vm0, $0xb8;
	[tilespmem:$0x8080] =	vst v63  }
0x21: {  	v3 =	vld [tilespmem:$0x10];
	_ =	sdelay $0x4  }
0x22: {  	v57 =	vshll.u32 v3, $0x1  }
0x23: {  	v3 =	vand.u32 $0x7, v3;
	v4 =	vand.u32 $0xFFFFFFF0, v57  }
0x24: {  	v3 =	vor.u32 v3, v4  }
0x25: {  	v4 =	vperm.xlane v3, v0;
	_ =	sdelay $0x1  }
0x26: {  	v3 =	vperm.xlane v3, v2;
	v4 =	vadd.s32 v1, v4;
	_ =	sdelay $0x1  }
0x27: {  	v3 =	vadd.s32 v1, v3;
	_ =	sdelay $0x2  }
0x28: {  	[tilespmem:s10], [sflag:$0x1] =	stream.indirect_vreg.gather [hbm4b:s1+s3], $0x80, v4, vm0, $0xb8;
	[tilespmem:$0x8080] =	vst v63  }
0x29: {  	_ = 	snop  }
0x2a: {  	[tilespmem:s11], [sflag:$0x1] =	stream.indirect_vreg.gather [hbm4b:s1+s3], $0x80, v3, vm0, $0xb8;
	[tilespmem:$0x8080] =	vst v63  }
0x2b: {  	v3 =	vld [tilespmem:$0x20];
	_ =	sdelay $0x4  }
0x2c: {  	v58 =	vshll.u32 v3, $0x1  }
0x2d: {  	v3 =	vand.u32 $0x7, v3;
	v4 =	vand.u32 $0xFFFFFFF0, v58  }
0x2e: {  	v3 =	vor.u32 v3, v4  }
0x2f: {  	v4 =	vperm.xlane v3, v0;
	_ =	sdelay $0x1  }
0x30: {  	v3 =	vperm.xlane v3, v2;
	v4 =	vadd.s32 v1, v4;
	_ =	sdelay $0x1  }
0x31: {  	v3 =	vadd.s32 v1, v3;
	_ =	sdelay $0x2  }
0x32: {  	[tilespmem:s12], [sflag:$0x1] =	stream.indirect_vreg.gather [hbm4b:s1+s3], $0x80, v4, vm0, $0xb8;
	[tilespmem:$0x8080] =	vst v63  }
0x33: {  	_ = 	snop  }
0x34: {  	[tilespmem:s13], [sflag:$0x1] =	stream.indirect_vreg.gather [hbm4b:s1+s3], $0x80, v3, vm0, $0xb8;
	[tilespmem:$0x8080] =	vst v63  }
0x35: {  	v3 =	vld [tilespmem:$0x30];
	_ =	sdelay $0x4  }
0x36: {  	v59 =	vshll.u32 v3, $0x1  }
0x37: {  	v3 =	vand.u32 $0x7, v3;
	v4 =	vand.u32 $0xFFFFFFF0, v59  }
0x38: {  	v3 =	vor.u32 v3, v4  }
0x39: {  	v4 =	vperm.xlane v3, v0;
	_ =	sdelay $0x1  }
0x3a: {  	v3 =	vperm.xlane v3, v2;
	v4 =	vadd.s32 v1, v4;
	_ =	sdelay $0x1  }
0x3b: {  	v3 =	vadd.s32 v1, v3;
	_ =	sdelay $0x2  }
0x3c: {  	[tilespmem:s14], [sflag:$0x1] =	stream.indirect_vreg.gather [hbm4b:s1+s3], $0x80, v4, vm0, $0xb8;
	[tilespmem:$0x8080] =	vst v63  }
0x3d: {  	_ = 	snop  }
0x3e: {  	[tilespmem:s15], [sflag:$0x1] =	stream.indirect_vreg.gather [hbm4b:s1+s3], $0x80, v3, vm0, $0xb8;
	[tilespmem:$0x8080] =	vst v63  }
0x3f: {  	v3 =	vld [tilespmem:$0x40];
	_ =	sdelay $0x4  }
0x40: {  	v60 =	vshll.u32 v3, $0x1  }
0x41: {  	v3 =	vand.u32 $0x7, v3;
	v4 =	vand.u32 $0xFFFFFFF0, v60  }
0x42: {  	v3 =	vor.u32 v3, v4  }
0x43: {  	v4 =	vperm.xlane v3, v0;
	_ =	sdelay $0x1  }
0x44: {  	v3 =	vperm.xlane v3, v2;
	v4 =	vadd.s32 v1, v4;
	_ =	sdelay $0x1  }
0x45: {  	v3 =	vadd.s32 v1, v3;
	_ =	sdelay $0x2  }
0x46: {  	[tilespmem:s16], [sflag:$0x1] =	stream.indirect_vreg.gather [hbm4b:s1+s3], $0x80, v4, vm0, $0xb8;
	[tilespmem:$0x8080] =	vst v63  }
0x47: {  	_ = 	snop  }
0x48: {  	[tilespmem:s17], [sflag:$0x1] =	stream.indirect_vreg.gather [hbm4b:s1+s3], $0x80, v3, vm0, $0xb8;
	[tilespmem:$0x8080] =	vst v63  }
0x49: {  	v3 =	vld [tilespmem:$0x50];
	_ =	sdelay $0x4  }
0x4a: {  	v61 =	vshll.u32 v3, $0x1  }
0x4b: {  	v3 =	vand.u32 $0x7, v3;
	v4 =	vand.u32 $0xFFFFFFF0, v61  }
0x4c: {  	v3 =	vor.u32 v3, v4  }
0x4d: {  	v4 =	vperm.xlane v3, v0;
	_ =	sdelay $0x1  }
0x4e: {  	v3 =	vperm.xlane v3, v2;
	v4 =	vadd.s32 v1, v4;
	_ =	sdelay $0x1  }
0x4f: {  	v3 =	vadd.s32 v1, v3;
	_ =	sdelay $0x2  }
0x50: {  	[tilespmem:s18], [sflag:$0x1] =	stream.indirect_vreg.gather [hbm4b:s1+s3], $0x80, v4, vm0, $0xb8;
	[tilespmem:$0x8080] =	vst v63  }
0x51: {  	_ = 	snop  }
0x52: {  	[tilespmem:s19], [sflag:$0x1] =	stream.indirect_vreg.gather [hbm4b:s1+s3], $0x80, v3, vm0, $0xb8;
	[tilespmem:$0x8080] =	vst v63  }
0x53: {  	v3 =	vld [tilespmem:$0x60];
	_ =	sdelay $0x4  }
0x54: {  	v62 =	vshll.u32 v3, $0x1  }
0x55: {  	v3 =	vand.u32 $0x7, v3;
	v4 =	vand.u32 $0xFFFFFFF0, v62  }
0x56: {  	v3 =	vor.u32 v3, v4  }
0x57: {  	v4 =	vperm.xlane v3, v0;
	_ =	sdelay $0x1  }
0x58: {  	v3 =	vperm.xlane v3, v2;
	v4 =	vadd.s32 v1, v4;
	_ =	sdelay $0x1  }
0x59: {  	v3 =	vadd.s32 v1, v3;
	_ =	sdelay $0x2  }
0x5a: {  	[tilespmem:s20], [sflag:$0x1] =	stream.indirect_vreg.gather [hbm4b:s1+s3], $0x80, v4, vm0, $0xb8;
	[tilespmem:$0x8080] =	vst v63  }
0x5b: {  	_ = 	snop  }
0x5c: {  	[tilespmem:s21], [sflag:$0x1] =	stream.indirect_vreg.gather [hbm4b:s1+s3], $0x80, v3, vm0, $0xb8;
	[tilespmem:$0x8080] =	vst v63  }
0x5d: {  	v3 =	vld [tilespmem:$0x70];
	_ =	sdelay $0x4  }
0x5e: {  	v63 =	vshll.u32 v3, $0x1  }
0x5f: {  	v3 =	vand.u32 $0x7, v3;
	v4 =	vand.u32 $0xFFFFFFF0, v63  }
0x60: {  	v3 =	vor.u32 v3, v4  }
0x61: {  	v4 =	vperm.xlane v3, v0;
	_ =	sdelay $0x1  }
0x62: {  	v3 =	vperm.xlane v3, v2;
	v4 =	vadd.s32 v1, v4;
	_ =	sdelay $0x1  }
0x63: {  	v3 =	vadd.s32 v1, v3;
	_ =	sdelay $0x2  }
0x64: {  	[tilespmem:s22], [sflag:$0x1] =	stream.indirect_vreg.gather [hbm4b:s1+s3], $0x80, v4, vm0, $0xb8;
	[tilespmem:$0x8080] =	vst v63  }
0x65: {  	_ = 	snop  }
0x66: {  	[tilespmem:s23], [sflag:$0x1] =	stream.indirect_vreg.gather [hbm4b:s1+s3], $0x80, v3, vm0, $0xb8;
	[tilespmem:$0x8080] =	vst v63  }
0x67: {  	_ =	swait.ge [sflag:s24], $0x8000  }
0x68: {  	p0 =	sne.s32 s28, $0xF0;
	[sflag:s24] =	ssyncset.done $0x0  }
.Ltmp0:
0x69: {  	[sflag:s24] =	ssyncadd.s32 $0xFFFF8000;
	(pc) =	sbr.rel @p0 .LBB2_2-.Ltmp0, $4  }
0x6a: {  	[hbm4b:s26+s3] =	stream.linear.scatter [tilespmem:s8], [sflag:$0x2], $0x8000, $0x38;
	[tilespmem:$0x8080] =	vst v63  }
0x6b: {  	_ =	swait.ge [sflag:s7], $0x8000  }
0x6c: {  	[sflag:s7] =	ssyncset.done $0x0  }
0x6d: {  	s28 =	sadd.s32 $0x10, s28;
	s26 =	sadd.s32 $0x1000, s26;
	[sflag:s7] =	ssyncadd.s32 $0xFFFF8000  }
0x6e: {  	s25 =	sadd.s32 $0x1, s25  }
0x6f: {  	p0 =	sne.s32 s25, s4  }
.Ltmp1:
0x70: {  	_ = 	snop;
	(pc) =	sbr.rel @p0 .LBB2_1-.Ltmp1, $1  }
0x71: {  	_ =	sdelay $0x3  }
0x72: {  	_ =	sfence.sel $0x180000  }
0x73: {  	[bflag:$0x0] =	sbarrier.arrive $0xFFFF  }
0x74: {  	p0 =	sne.s32 s2, $0x0;
	_ =	strace $0x90000047  }
0x75: {  	s0 =	sadd.s32 @!p0 $0x100000, s0;
	[bflag:$0x2] =	sbarrier.arrive $0xFFFF  }
0x76: {  	[sflag:s0] =	ssyncadd.tile.s32 @!p0 $0x1;
	_ =	shalt  }
.Lfunc_end2:
_tile_overlayer_lowered:
.L_overlay_start_2:
0x77: {  	(tag) =	ssettag $0x2  }
0x78: {  	s0 =	rddreg [dreg:$0x0];
	s2 =	stileid.u32  }
0x79: {  	s1 =	rddreg [dreg:$0x1];
	p0 =	sne.s32 s2, $0x0  }
0x7a: {  	s3 =	rddreg [dreg:$0x2];
	[bflag:$0x3] =	sbarrier.arrive $0xFFFF;
	s2 =	simm.s32 @!p0 $0x1C02  }
0x7b: {  	[timem:s3], [sflag:s2] =	dma.local @!p0 [hbm:s0], s1  }
0x7c: {  	s0 =	simm.s32 @!p0 $0x2  }
0x7d: {  	_ =	swait.ge @!p0 [sflag:s0], s1  }
0x7e: {  	s1 =	ssub.s32 @!p0 $0x0, s1;
	[sflag:s0] =	ssyncset.done @!p0 $0x0  }
0x7f: {  	[sflag:s0] =	ssyncadd.s32 @!p0 s1  }
0x80: {  	[bflag:$0x3] =	sbarrier.arrive $0xFFFF  }
0x81: {  	_ =	shalt  }

</sc_bundles>
